<compile_context>
chip_gen: v7x
topology: tpu7x:2x2x1
jax: 0.10.2.dev20260603
libtpu: 0.0.44.dev20260713+nightly
codegen_flags: <defaults>
</compile_context>

<pallas_src>
import functools

import jax
import jax.numpy as jnp
from jax import lax
from jax.experimental import pallas as pl
from jax.experimental.pallas import tpu as pltpu
from jax.experimental.pallas import tpu_sc as plsc

_N_E = 1024
_E_DIM = 256
_BETA = 0.25
_B = 8
_HW = 576
_G = 4
_TOK = (_B * _HW) // _G
_NTOK = _B * _HW


def _dist_body(zf_ref, cb_ref, idx_ref, counts_ref, loss_ref):
    b = pl.program_id(0)
    zfb = zf_ref[...]
    cb = cb_ref[...]

    mm2 = lax.dot_general(-2.0 * zfb, cb, (((1,), (1,)), ((), ())))
    zsq = jnp.sum(zfb * zfb, axis=1, keepdims=True)
    esq = jnp.sum(cb * cb, axis=1)
    d = (zsq + esq) + mm2

    dmin = jnp.min(d, axis=1, keepdims=True)
    ids = lax.broadcasted_iota(jnp.int32, (_TOK, _N_E), 1)
    idx = jnp.min(jnp.where(d == dmin, ids, _N_E), axis=1, keepdims=True)

    idx_t = jnp.transpose(idx, (1, 0)).reshape(_TOK)
    idx_ref[pl.ds(pl.multiple_of(b * _TOK, 128), _TOK)] = idx_t

    onehot = (ids == idx).astype(jnp.float32)
    ones_row = jnp.full((8, _TOK), 1.0, dtype=jnp.float32)
    cpart = lax.dot_general(ones_row, onehot,
                            (((1,), (0,)), ((), ())))[0]
    lpart = jnp.sum(dmin, axis=0, keepdims=True)

    @pl.when(b == 0)
    def _init():
        counts_ref[...] = cpart
        loss_ref[...] = lpart

    @pl.when(b > 0)
    def _acc():
        counts_ref[...] = counts_ref[...] + cpart
        loss_ref[...] = loss_ref[...] + lpart


def _tc_stage(zf, codebook):
    return pl.pallas_call(
        _dist_body,
        grid=(_G,),
        in_specs=[
            pl.BlockSpec((None, _TOK, _E_DIM), lambda b: (b, 0, 0)),
            pl.BlockSpec((_N_E, _E_DIM), lambda b: (0, 0)),
        ],
        out_specs=[
            pl.BlockSpec((_NTOK,), lambda b: (0,)),
            pl.BlockSpec((_N_E,), lambda b: (0,)),
            pl.BlockSpec((1, 1), lambda b: (0, 0)),
        ],
        out_shape=[
            jax.ShapeDtypeStruct((_NTOK,), jnp.int32),
            jax.ShapeDtypeStruct((_N_E,), jnp.float32),
            jax.ShapeDtypeStruct((1, 1), jnp.float32),
        ],
    )(zf, codebook)


def _sc_gather(codebook, idx):
    info = plsc.get_sparse_core_info()
    nw = info.num_cores * info.num_subcores
    bpw = _NTOK // nw
    half = bpw // 2
    mesh = plsc.VectorSubcoreMesh(core_axis_name="c", subcore_axis_name="s")

    @functools.partial(
        pl.kernel,
        mesh=mesh,
        out_type=jax.ShapeDtypeStruct((_NTOK, _E_DIM), jnp.float32),
        scratch_types=[
            pltpu.VMEM((bpw,), jnp.int32),
            pltpu.VMEM((bpw, _E_DIM), jnp.float32),
            pltpu.SemaphoreType.DMA,
        ],
    )
    def k(cb_hbm, idx_hbm, out_hbm, idx_v, rows_v, sem):
        wid = lax.axis_index("s") * info.num_cores + lax.axis_index("c")
        base = wid * bpw
        pltpu.sync_copy(idx_hbm.at[pl.ds(base, bpw)], idx_v)
        cp0 = pltpu.async_copy(cb_hbm.at[idx_v.at[pl.ds(0, half)]],
                               rows_v.at[pl.ds(0, half)], sem)
        cp1 = pltpu.async_copy(cb_hbm.at[idx_v.at[pl.ds(half, half)]],
                               rows_v.at[pl.ds(half, half)], sem)
        cp0.wait()
        cp1.wait()
        pltpu.sync_copy(rows_v, out_hbm.at[pl.ds(base, bpw)])

    return k(codebook, idx)


@jax.jit
def kernel(z, codebook):
    zf = jnp.transpose(z, (0, 2, 3, 1)).reshape(_G, _TOK, _E_DIM)
    idx, counts, loss_sum = _tc_stage(zf, codebook)
    out2 = _sc_gather(codebook, idx)
    z_q_out = jnp.transpose(out2.reshape(_B, 24, 24, _E_DIM), (0, 3, 1, 2))
    n = _B * _HW * _E_DIM
    l_mean = loss_sum[0, 0] / n
    loss = _BETA * l_mean + l_mean
    return (z_q_out, loss, counts)

# --- scband reference (transcript-rebuilt; emitter-appended) ---
"""Pipeline reference for scband-vector-quantizer-3281355014181 (READ-ONLY COPY).

The authoritative reference and input builder live on the scoring server;
editing this copy changes nothing except your own understanding.
"""

import jax, jax.numpy as jnp
import numpy as np

N_E = 1024
E_DIM = 256
BETA = 0.25

def setup_inputs(seed: int = 0):
    key = jax.random.key(seed)
    k1, k2 = jax.random.split(key)
    z = jax.random.normal(k1, (8, 256, 24, 24), dtype=jnp.float32)
    codebook = jax.random.uniform(k2, (N_E, E_DIM), dtype=jnp.float32, minval=-1.0 / N_E, maxval=1.0 / N_E)
    return {"z": z, "codebook": codebook}

def reference(z, codebook):
    zt = jnp.transpose(z, (0, 2, 3, 1))
    zf = zt.reshape(-1, E_DIM)
    square_sum = jnp.sum(zf ** 2, axis=1, keepdims=True) + jnp.sum(codebook ** 2, axis=1)
    distance = square_sum - 2.0 * (zf @ codebook.T)
    min_encoding_indices = jnp.argmin(distance, axis=1)
    one_hot = jax.nn.one_hot(min_encoding_indices, N_E, dtype=zf.dtype)
    counts = jnp.sum(one_hot, axis=0)
    z_q = jnp.take(codebook, min_encoding_indices, axis=0).reshape(zt.shape)
    L_commitment = jnp.mean((jax.lax.stop_gradient(z_q) - zt) ** 2)
    L_codebook = jnp.mean((z_q - jax.lax.stop_gradient(zt)) ** 2)
    loss = BETA * L_commitment + L_codebook
    z_q_st = zt + jax.lax.stop_gradient(z_q - zt)
    z_q_out = jnp.transpose(z_q_st, (0, 3, 1, 2))
    return (z_q_out, loss, counts)

if __name__ == "__main__":
    import jax
    _d = setup_inputs()
    print(jax.jit(kernel)(*tuple(_d.values())))

</pallas_src>

<mosaic_0001>
#map = affine_map<(d0, d1) -> (0, 0)>
#map1 = affine_map<(d0, d1) -> (0)>
module attributes {stable_mosaic.version = 14 : i64} {
  func.func @k(%arg0: i32, %arg1: i32, %arg2: memref<1024x256xf32, #tpu.memory_space<hbm>>, %arg3: memref<4608xi32, #tpu.memory_space<hbm>>, %arg4: memref<4608x256xf32, #tpu.memory_space<hbm>>, %arg5: memref<144xi32, #tpu.memory_space<vmem>>, %arg6: memref<144x256xf32, #tpu.memory_space<vmem>>, %arg7: memref<!tpu.dma_semaphore, #tpu.memory_space<semaphore_mem>>) attributes {dimension_semantics = [#tpu.dimension_semantics<core_parallel>, #tpu.dimension_semantics<subcore_parallel>], iteration_bounds = array<i64: 2, 16>, scalar_prefetch = 0 : i64, scratch_operands = 3 : i64, tpu.core_type = #tpu.core_type<sc_vector_subcore>, window_params = [{transform_indices = #map}, {transform_indices = #map1}, {transform_indices = #map}]} {
    %mul3A = arith.constant 2 : i32
    %mul3A_0 = arith.muli %arg1, %mul3A : i32
    %add3A = arith.addi %mul3A_0, %arg0 : i32
    %mul3A_1 = arith.constant 144 : i32
    %mul3A_2 = arith.muli %add3A, %mul3A_1 : i32
    "tpu.region"() ({
      %run_scoped3A = tpu.sem_alloc : memref<!tpu.dma_semaphore, #tpu.memory_space<semaphore_mem>>
      %dma_start3A_33 = tpu.memref_slice %arg3[%mul3A_2] : memref<4608xi32, #tpu.memory_space<hbm>> -> memref<144xi32, #tpu.memory_space<hbm>>
      %dma_start3A_34 = tpu.memref_slice %arg3[%mul3A_2] : memref<4608xi32, #tpu.memory_space<hbm>> -> memref<144xi32, #tpu.memory_space<hbm>>
      tpu.enqueue_dma source(%dma_start3A_34 : memref<144xi32, #tpu.memory_space<hbm>>) target(%arg5 : memref<144xi32, #tpu.memory_space<vmem>>) target_semaphore(%run_scoped3A : memref<!tpu.dma_semaphore, #tpu.memory_space<semaphore_mem>>)
      %dma_wait3A_35 = tpu.memref_slice %arg3[%mul3A_2] : memref<4608xi32, #tpu.memory_space<hbm>> -> memref<144xi32, #tpu.memory_space<hbm>>
      %dma_wait3A_36 = tpu.memref_slice %arg3[%mul3A_2] : memref<4608xi32, #tpu.memory_space<hbm>> -> memref<144xi32, #tpu.memory_space<hbm>>
      tpu.wait_dma2 semaphore(%run_scoped3A : memref<!tpu.dma_semaphore, #tpu.memory_space<semaphore_mem>>) src(%dma_wait3A_36 : memref<144xi32, #tpu.memory_space<hbm>>) dst(%arg5 : memref<144xi32, #tpu.memory_space<vmem>>)
      tpu.yield
    }) : () -> ()
    %dma_start3A = arith.constant 0 : i32
    %dma_start3A_3 = arith.constant 0 : i32
    %dma_start3A_4 = tpu.memref_slice %arg6[%dma_start3A, %dma_start3A_3] : memref<144x256xf32, #tpu.memory_space<vmem>> -> memref<72x256xf32, #tpu.memory_space<vmem>>
    %dma_start3A_5 = arith.constant 0 : i32
    %dma_start3A_6 = tpu.memref_slice %arg5[%dma_start3A_5] : memref<144xi32, #tpu.memory_space<vmem>> -> memref<72xi32, #tpu.memory_space<vmem>>
    %dma_start3A_7 = arith.constant 0 : i32
    %dma_start3A_8 = arith.constant 0 : i32
    %dma_start3A_9 = tpu.memref_slice %arg2[%dma_start3A_7, %dma_start3A_8] : memref<1024x256xf32, #tpu.memory_space<hbm>> -> memref<1024x256xf32, #tpu.memory_space<hbm>>
    tpu.enqueue_indirect_dma source(%dma_start3A_9 : memref<1024x256xf32, #tpu.memory_space<hbm>>) target(%dma_start3A_4 : memref<72x256xf32, #tpu.memory_space<vmem>>) offsets(%dma_start3A_6 : memref<72xi32, #tpu.memory_space<vmem>>) semaphore(%arg7 : memref<!tpu.dma_semaphore, #tpu.memory_space<semaphore_mem>>)
    %dma_start3A_10 = arith.constant 72 : i32
    %dma_start3A_11 = arith.constant 0 : i32
    %dma_start3A_12 = tpu.memref_slice %arg6[%dma_start3A_10, %dma_start3A_11] : memref<144x256xf32, #tpu.memory_space<vmem>> -> memref<72x256xf32, #tpu.memory_space<vmem>>
    %dma_start3A_13 = arith.constant 72 : i32
    %dma_start3A_14 = tpu.memref_slice %arg5[%dma_start3A_13] : memref<144xi32, #tpu.memory_space<vmem>> -> memref<72xi32, #tpu.memory_space<vmem>>
    %dma_start3A_15 = arith.constant 0 : i32
    %dma_start3A_16 = arith.constant 0 : i32
    %dma_start3A_17 = tpu.memref_slice %arg2[%dma_start3A_15, %dma_start3A_16] : memref<1024x256xf32, #tpu.memory_space<hbm>> -> memref<1024x256xf32, #tpu.memory_space<hbm>>
    tpu.enqueue_indirect_dma source(%dma_start3A_17 : memref<1024x256xf32, #tpu.memory_space<hbm>>) target(%dma_start3A_12 : memref<72x256xf32, #tpu.memory_space<vmem>>) offsets(%dma_start3A_14 : memref<72xi32, #tpu.memory_space<vmem>>) semaphore(%arg7 : memref<!tpu.dma_semaphore, #tpu.memory_space<semaphore_mem>>)
    %dma_wait3A = arith.constant 0 : i32
    %dma_wait3A_18 = arith.constant 0 : i32
    %dma_wait3A_19 = tpu.memref_slice %arg6[%dma_wait3A, %dma_wait3A_18] : memref<144x256xf32, #tpu.memory_space<vmem>> -> memref<72x256xf32, #tpu.memory_space<vmem>>
    %dma_wait3A_20 = arith.constant 0 : i32
    %dma_wait3A_21 = tpu.memref_slice %arg5[%dma_wait3A_20] : memref<144xi32, #tpu.memory_space<vmem>> -> memref<72xi32, #tpu.memory_space<vmem>>
    %dma_wait3A_22 = arith.constant 0 : i32
    %dma_wait3A_23 = arith.constant 0 : i32
    %dma_wait3A_24 = tpu.memref_slice %arg2[%dma_wait3A_22, %dma_wait3A_23] : memref<1024x256xf32, #tpu.memory_space<hbm>> -> memref<1024x256xf32, #tpu.memory_space<hbm>>
    tpu.wait_indirect_dma semaphore(%arg7 : memref<!tpu.dma_semaphore, #tpu.memory_space<semaphore_mem>>) src(%dma_wait3A_24 : memref<1024x256xf32, #tpu.memory_space<hbm>>) dst(%dma_wait3A_19 : memref<72x256xf32, #tpu.memory_space<vmem>>)
    %dma_wait3A_25 = arith.constant 72 : i32
    %dma_wait3A_26 = arith.constant 0 : i32
    %dma_wait3A_27 = tpu.memref_slice %arg6[%dma_wait3A_25, %dma_wait3A_26] : memref<144x256xf32, #tpu.memory_space<vmem>> -> memref<72x256xf32, #tpu.memory_space<vmem>>
    %dma_wait3A_28 = arith.constant 72 : i32
    %dma_wait3A_29 = tpu.memref_slice %arg5[%dma_wait3A_28] : memref<144xi32, #tpu.memory_space<vmem>> -> memref<72xi32, #tpu.memory_space<vmem>>
    %dma_wait3A_30 = arith.constant 0 : i32
    %dma_wait3A_31 = arith.constant 0 : i32
    %dma_wait3A_32 = tpu.memref_slice %arg2[%dma_wait3A_30, %dma_wait3A_31] : memref<1024x256xf32, #tpu.memory_space<hbm>> -> memref<1024x256xf32, #tpu.memory_space<hbm>>
    tpu.wait_indirect_dma semaphore(%arg7 : memref<!tpu.dma_semaphore, #tpu.memory_space<semaphore_mem>>) src(%dma_wait3A_32 : memref<1024x256xf32, #tpu.memory_space<hbm>>) dst(%dma_wait3A_27 : memref<72x256xf32, #tpu.memory_space<vmem>>)
    "tpu.region"() ({
      %run_scoped3A = tpu.sem_alloc : memref<!tpu.dma_semaphore, #tpu.memory_space<semaphore_mem>>
      %dma_start3A_33 = arith.constant 0 : i32
      %dma_start3A_34 = tpu.memref_slice %arg4[%mul3A_2, %dma_start3A_33] : memref<4608x256xf32, #tpu.memory_space<hbm>> -> memref<144x256xf32, #tpu.memory_space<hbm>>
      %dma_start3A_35 = arith.constant 0 : i32
      %dma_start3A_36 = tpu.memref_slice %arg4[%mul3A_2, %dma_start3A_35] : memref<4608x256xf32, #tpu.memory_space<hbm>> -> memref<144x256xf32, #tpu.memory_space<hbm>>
      tpu.enqueue_dma source(%arg6 : memref<144x256xf32, #tpu.memory_space<vmem>>) target(%dma_start3A_36 : memref<144x256xf32, #tpu.memory_space<hbm>>) target_semaphore(%run_scoped3A : memref<!tpu.dma_semaphore, #tpu.memory_space<semaphore_mem>>)
      %dma_wait3A_37 = arith.constant 0 : i32
      %dma_wait3A_38 = tpu.memref_slice %arg4[%mul3A_2, %dma_wait3A_37] : memref<4608x256xf32, #tpu.memory_space<hbm>> -> memref<144x256xf32, #tpu.memory_space<hbm>>
      %dma_wait3A_39 = arith.constant 0 : i32
      %dma_wait3A_40 = tpu.memref_slice %arg4[%mul3A_2, %dma_wait3A_39] : memref<4608x256xf32, #tpu.memory_space<hbm>> -> memref<144x256xf32, #tpu.memory_space<hbm>>
      tpu.wait_dma2 semaphore(%run_scoped3A : memref<!tpu.dma_semaphore, #tpu.memory_space<semaphore_mem>>) src(%arg6 : memref<144x256xf32, #tpu.memory_space<vmem>>) dst(%dma_wait3A_40 : memref<144x256xf32, #tpu.memory_space<hbm>>)
      tpu.yield
    }) : () -> ()
    return
  }
}

module attributes {stable_mosaic.version = 14 : i64} {
  func.func @_dist_body(%arg0: i32, %arg1: memref<1x1152x256xf32, #tpu.memory_space<vmem>>, %arg2: memref<1024x256xf32, #tpu.memory_space<vmem>>, %arg3: memref<4608xi32, #tpu.memory_space<vmem>>, %arg4: memref<1024xf32, #tpu.memory_space<vmem>>, %arg5: memref<1x1xf32, #tpu.memory_space<vmem>>) attributes {dimension_semantics = [#tpu.dimension_semantics<arbitrary>], iteration_bounds = array<i64: 4>, scalar_prefetch = 0 : i64, scratch_operands = 0 : i64, tpu.core_type = #tpu.core_type<tc>, window_params = [{transform_indices = @transform_0, window_bounds = array<i64: 1, 1152, 256>}, {pipeline_mode = #tpu.pipeline_mode<synchronous>, transform_indices = @transform_1, window_bounds = array<i64: 1024, 256>}, {pipeline_mode = #tpu.pipeline_mode<synchronous>, transform_indices = @transform_2, window_bounds = array<i64: 4608>}, {pipeline_mode = #tpu.pipeline_mode<synchronous>, transform_indices = @transform_3, window_bounds = array<i64: 1024>}, {pipeline_mode = #tpu.pipeline_mode<synchronous>, transform_indices = @transform_4, window_bounds = array<i64: 1, 1>}]} {
    %get3A = arith.constant 0 : index
    %get3A_0 = arith.constant 0 : index
    %get3A_1 = arith.constant 0 : index
    %get3A_2 = vector.load %arg1[%get3A, %get3A_0, %get3A_1] : memref<1x1152x256xf32, #tpu.memory_space<vmem>>, vector<1x1152x256xf32>
    %get3A_3 = vector.shape_cast %get3A_2 : vector<1x1152x256xf32> to vector<1152x256xf32>
    %get3A_4 = arith.constant 0 : index
    %get3A_5 = arith.constant 0 : index
    %get3A_6 = vector.load %arg2[%get3A_4, %get3A_5] : memref<1024x256xf32, #tpu.memory_space<vmem>>, vector<1024x256xf32>
    %mul3A = arith.constant -2.000000e+00 : f32
    %mul3A_7 = vector.broadcast %mul3A : f32 to vector<1152x256xf32>
    %mul3A_8 = arith.mulf %mul3A_7, %get3A_3 : vector<1152x256xf32>
    %dot_general3A = arith.constant dense<0.000000e+00> : vector<1152x1024xf32>
    %dot_general3A_9 = tpu.matmul %mul3A_8, %get3A_6, %dot_general3A {dimension_numbers = #tpu.dot_dimension_numbers<[1], [1], [0], [0], [0, 0, 1, 0], [], []>, transpose_lhs_hint = false} : vector<1152x256xf32>, vector<1024x256xf32>, vector<1152x1024xf32> -> vector<1152x1024xf32>
    %mul3A_10 = arith.mulf %get3A_3, %get3A_3 : vector<1152x256xf32>
    %reduce_sum3A = arith.constant dense<0.000000e+00> : vector<1152xf32>
    %reduce_sum3A_11 = vector.multi_reduction <add>, %mul3A_10, %reduce_sum3A [1] : vector<1152x256xf32> to vector<1152xf32>
    %broadcast_in_dim3A = vector.shape_cast %reduce_sum3A_11 : vector<1152xf32> to vector<1152x1xf32>
    %mul3A_12 = arith.mulf %get3A_6, %get3A_6 : vector<1024x256xf32>
    %reduce_sum3A_13 = arith.constant dense<0.000000e+00> : vector<1024xf32>
    %reduce_sum3A_14 = vector.multi_reduction <add>, %mul3A_12, %reduce_sum3A_13 [1] : vector<1024x256xf32> to vector<1024xf32>
    %broadcast_in_dim3A_15 = vector.shape_cast %reduce_sum3A_14 : vector<1024xf32> to vector<1x1024xf32>
    %add3A = vector.broadcast %broadcast_in_dim3A : vector<1152x1xf32> to vector<1152x1024xf32>
    %add3A_16 = vector.broadcast %broadcast_in_dim3A_15 : vector<1x1024xf32> to vector<1152x1024xf32>
    %add3A_17 = arith.addf %add3A, %add3A_16 : vector<1152x1024xf32>
    %add3A_18 = arith.addf %add3A_17, %dot_general3A_9 : vector<1152x1024xf32>
    %reduce_min3A = arith.constant dense<0x7F800000> : vector<1152xf32>
    %reduce_min3A_19 = vector.multi_reduction <minimumf>, %add3A_18, %reduce_min3A [1] : vector<1152x1024xf32> to vector<1152xf32>
    %broadcast_in_dim3A_20 = vector.shape_cast %reduce_min3A_19 : vector<1152xf32> to vector<1152x1xf32>
    %iota3A = tpu.iota {dimensions = array<i32: 1>} : vector<1152x1024xi32>
    %eq3A = vector.broadcast %broadcast_in_dim3A_20 : vector<1152x1xf32> to vector<1152x1024xf32>
    %eq3A_21 = arith.cmpf oeq, %add3A_18, %eq3A : vector<1152x1024xf32>
    %jit3A = arith.constant 1024 : i32
    %broadcast_in_dim3A_22 = vector.broadcast %jit3A : i32 to vector<1152x1024xi32>
    %select_n3A = arith.select %eq3A_21, %iota3A, %broadcast_in_dim3A_22 : vector<1152x1024xi1>, vector<1152x1024xi32>
    %reduce_min3A_23 = arith.constant dense<2147483647> : vector<1152xi32>
    %reduce_min3A_24 = vector.multi_reduction <minsi>, %select_n3A, %reduce_min3A_23 [1] : vector<1152x1024xi32> to vector<1152xi32>
    %broadcast_in_dim3A_25 = vector.shape_cast %reduce_min3A_24 : vector<1152xi32> to vector<1152x1xi32>
    %transpose3A = tpu.transpose %broadcast_in_dim3A_25, [1, 0] : vector<1152x1xi32> -> vector<1x1152xi32>
    %reshape3A = vector.shape_cast %transpose3A : vector<1x1152xi32> to vector<1152xi32>
    %mul3A_26 = arith.constant 1152 : i32
    %mul3A_27 = arith.muli %arg0, %mul3A_26 : i32
    %multiple_of3A = tpu.assume_multiple %mul3A_27, 128 : i32
    %swap3A = arith.index_cast %multiple_of3A : i32 to index
    %swap3A_28 = vector.load %arg3[%swap3A] : memref<4608xi32, #tpu.memory_space<vmem>>, vector<1152xi32>
    tpu.vector_store %arg3[%swap3A], %reshape3A {strides = array<i32>} : memref<4608xi32, #tpu.memory_space<vmem>>, vector<1152xi32>,
    %eq3A_29 = vector.broadcast %broadcast_in_dim3A_25 : vector<1152x1xi32> to vector<1152x1024xi32>
    %eq3A_30 = arith.cmpi eq, %iota3A, %eq3A_29 : vector<1152x1024xi32>
    %convert_element_type3A = arith.extui %eq3A_30 : vector<1152x1024xi1> to vector<1152x1024xi32>
    %convert_element_type3A_31 = arith.sitofp %convert_element_type3A : vector<1152x1024xi32> to vector<1152x1024xf32>
    %broadcast_in_dim3A_32 = arith.constant 1.000000e+00 : f32
    %broadcast_in_dim3A_33 = vector.broadcast %broadcast_in_dim3A_32 : f32 to vector<8x1152xf32>
    %dot_general3A_34 = arith.constant dense<0.000000e+00> : vector<8x1024xf32>
    %dot_general3A_35 = tpu.matmul %broadcast_in_dim3A_33, %convert_element_type3A_31, %dot_general3A_34 {dimension_numbers = #tpu.dot_dimension_numbers<[1], [0], [0], [1], [0, 0, 1, 1], [], []>, transpose_lhs_hint = false} : vector<8x1152xf32>, vector<1152x1024xf32>, vector<8x1024xf32> -> vector<8x1024xf32>
    %slice3A = vector.extract_strided_slice %dot_general3A_35 {offsets = [0, 0], sizes = [1, 1024], strides = [1, 1]} : vector<8x1024xf32> to vector<1x1024xf32>
    %squeeze3A = vector.shape_cast %slice3A : vector<1x1024xf32> to vector<1024xf32>
    %reduce_sum3A_36 = arith.constant dense<0.000000e+00> : vector<1xf32>
    %reduce_sum3A_37 = vector.multi_reduction <add>, %broadcast_in_dim3A_20, %reduce_sum3A_36 [0] : vector<1152x1xf32> to vector<1xf32>
    %broadcast_in_dim3A_38 = vector.shape_cast %reduce_sum3A_37 : vector<1xf32> to vector<1x1xf32>
    %eq3A_39 = arith.constant 0 : i32
    %eq3A_40 = arith.cmpi eq, %arg0, %eq3A_39 : i32
    %convert_element_type3A_41 = arith.extui %eq3A_40 : i1 to i32
    %cond3A = arith.constant 0 : i32
    %cond3A_42 = arith.cmpi ne, %convert_element_type3A_41, %cond3A : i32
    scf.if %cond3A_42 {
      %swap3A_47 = arith.constant 0 : index
      %swap3A_48 = vector.load %arg4[%swap3A_47] : memref<1024xf32, #tpu.memory_space<vmem>>, vector<1024xf32>
      tpu.vector_store %arg4[%swap3A_47], %squeeze3A {strides = array<i32>} : memref<1024xf32, #tpu.memory_space<vmem>>, vector<1024xf32>,
      %swap3A_49 = arith.constant 0 : index
      %swap3A_50 = arith.constant 0 : index
      %swap3A_51 = vector.load %arg5[%swap3A_49, %swap3A_50] : memref<1x1xf32, #tpu.memory_space<vmem>>, vector<1x1xf32>
      tpu.vector_store %arg5[%swap3A_49, %swap3A_50], %broadcast_in_dim3A_38 {strides = array<i32>} : memref<1x1xf32, #tpu.memory_space<vmem>>, vector<1x1xf32>,
    } else {
    }
    %gt3A = arith.constant 0 : i32
    %gt3A_43 = arith.cmpi sgt, %arg0, %gt3A : i32
    %convert_element_type3A_44 = arith.extui %gt3A_43 : i1 to i32
    %cond3A_45 = arith.constant 0 : i32
    %cond3A_46 = arith.cmpi ne, %convert_element_type3A_44, %cond3A_45 : i32
    scf.if %cond3A_46 {
      %get3A_47 = arith.constant 0 : index
      %get3A_48 = vector.load %arg4[%get3A_47] : memref<1024xf32, #tpu.memory_space<vmem>>, vector<1024xf32>
      %add3A_49 = arith.addf %get3A_48, %squeeze3A : vector<1024xf32>
      %swap3A_50 = arith.constant 0 : index
      %swap3A_51 = vector.load %arg4[%swap3A_50] : memref<1024xf32, #tpu.memory_space<vmem>>, vector<1024xf32>
      tpu.vector_store %arg4[%swap3A_50], %add3A_49 {strides = array<i32>} : memref<1024xf32, #tpu.memory_space<vmem>>, vector<1024xf32>,
      %get3A_52 = arith.constant 0 : index
      %get3A_53 = arith.constant 0 : index
      %get3A_54 = vector.load %arg5[%get3A_52, %get3A_53] : memref<1x1xf32, #tpu.memory_space<vmem>>, vector<1x1xf32>
      %add3A_55 = arith.addf %get3A_54, %broadcast_in_dim3A_38 : vector<1x1xf32>
      %swap3A_56 = arith.constant 0 : index
      %swap3A_57 = arith.constant 0 : index
      %swap3A_58 = vector.load %arg5[%swap3A_56, %swap3A_57] : memref<1x1xf32, #tpu.memory_space<vmem>>, vector<1x1xf32>
      tpu.vector_store %arg5[%swap3A_56, %swap3A_57], %add3A_55 {strides = array<i32>} : memref<1x1xf32, #tpu.memory_space<vmem>>, vector<1x1xf32>,
    } else {
    }
    return
  }
  func.func @transform_0(%arg0: i32) -> (i32, i32, i32) {
    %c0_i32 = arith.constant 0 : i32
    %c0_i32_0 = arith.constant 0 : i32
    %c0_i32_1 = arith.constant 0 : i32
    return %arg0, %c0_i32, %c0_i32_0 : i32, i32, i32
  }
  func.func @transform_1(%arg0: i32) -> (i32, i32) {
    %c0_i32 = arith.constant 0 : i32
    %c0_i32_0 = arith.constant 0 : i32
    %c0_i32_1 = arith.constant 0 : i32
    return %c0_i32, %c0_i32_0 : i32, i32
  }
  func.func @transform_2(%arg0: i32) -> i32 {
    %c0_i32 = arith.constant 0 : i32
    %c0_i32_0 = arith.constant 0 : i32
    return %c0_i32 : i32
  }
  func.func @transform_3(%arg0: i32) -> i32 {
    %c0_i32 = arith.constant 0 : i32
    %c0_i32_0 = arith.constant 0 : i32
    return %c0_i32 : i32
  }
  func.func @transform_4(%arg0: i32) -> (i32, i32) {
    %c0_i32 = arith.constant 0 : i32
    %c0_i32_0 = arith.constant 0 : i32
    %c0_i32_1 = arith.constant 0 : i32
    return %c0_i32, %c0_i32_0 : i32, i32
  }
}

</mosaic_0001>

<sc_bundles>
// kernel: kernel.4.cloned.1.call-start
scs
__scs_entry_jumppad:
0x0: {  	(pc) =	sbr.rel $0x88, $3  }
0x1: {  	(tag) =	ssettag $0x0;
	lr =	simm.s32 $0x1  }
0x2: {  	[smem:$0x3F9F] =	sst lr;
	_ =	strace $0xD0000000  }
0x3: {  	_ = 	snop  }
0x4: {  	_ = 	snop  }
0x5: {  	_ = 	snop  }
0x6: {  	_ = 	snop  }
0x7: {  	_ = 	snop  }
__scs_overlays_trampoline_lowered:
0x8: {  	[smem:$0x3FAE] =	sst s0  }
0x9: {  	[smem:$0x3FAF] =	sst s1  }
0xa: {  	[smem:$0x3FB0] =	sst s2  }
0xb: {  	[smem:$0x3FB1] =	sst s3  }
0xc: {  	[smem:$0x3FB2] =	sst s4  }
0xd: {  	[smem:$0x3FB3] =	sst s5  }
0xe: {  	[smem:$0x3FB4] =	sst s6  }
0xf: {  	[smem:$0x3FB5] =	sst s7  }
0x10: {  	[smem:$0x3FB6] =	sst s8  }
0x11: {  	[smem:$0x3FB7] =	sst s9;
	s0 =	simm.s32 @!p0 $0x0  }
0x12: {  	s1 =	sld [smem:$0x3F9D];
	s0 =	simm.s32 @p0 $0x1  }
0x13: {  	[smem:$0x3FB8] =	sst s0;
	s0 =	simm.s32 @!p1 $0x0  }
0x14: {  	s2 =	sld [smem:$0x3F9C];
	s0 =	simm.s32 @p1 $0x1  }
0x15: {  	[smem:$0x3FB9] =	sst s0;
	s0 =	simm.s32 @!p2 $0x0  }
0x16: {  	s3 =	sld [smem:$0x3FDB];
	s0 =	simm.s32 @p2 $0x1  }
0x17: {  	s4 =	simm.s32 $0x1BF5;
	[smem:$0x3FBB] =	sst s0  }
0x18: {  	s0 =	sld [smem:$0x3F9E];
	_ =	swait.ge [sflag:s4], $0x0  }
0x19: {  	s7 =	sld [smem:$0x3F9F]  }
0x1a: {  	s8 =	sadd.s32 $0xFFFFE003, lr  }
0x1b: {  	s9 =	sadd.s32 $0xFFFFFEF7, lr;
	s5 =	simm.s32 $0xFFFFFFFF;
	p2 =	slt.u32 s8, $0xFFFFF086  }
0x1c: {  	p1 =	slt.u32 s9, $0xF7A;
	s5 =	simm.s32 @!p2 $0x0  }
0x1d: {  	s5 =	simm.s32 @p1 $0x1;
	p0 =	seq.s32 s7, s2  }
0x1e: {  	s7 =	smul.u32 @!p0 $0xF7A, s2;
	p2 =	seq.s32 @!p0 s5, $0x0  }
0x1f: {  	s9 =	smul.u32 $0xF7A, s1;
	s8 =	simm.s32 @!p0 $0x1BF5;
	p2 =	por !p2, p0  }
0x20: {  	[sflag:s8] =	ssyncset.s32 @!p0 $0xFFFFF086;
	s6 =	sadd.s32 @!p0 s3, s7;
	s7 =	simm.s32 @!p0 $0x108  }
0x21: {  	s3 =	sadd.s32 s3, s9;
	s6 =	sadd.s32 @!p0 $0x88, s6;
	s7 =	simm.s32 @p2 $0x1082  }
0x22: {  	[simem:s7], [sflag:s8] =	dma.local @!p0 [hbm:s6], $0xF7A  }
0x23: {  	s9 =	sor.u32 $0xD0000000, s2;
	s6 =	simm.s32 $0x108;
	_ =	swait.ge @!p0 [sflag:s8], $0x0  }
0x24: {  	s3 =	sadd.s32 $0x88, s3;
	s6 =	simm.s32 @!p1 $0x1082;
	[sflag:s4] =	ssyncset.s32 $0xFFFFF086  }
0x25: {  	[simem:s6], [sflag:s4] =	dma.local [hbm:s3], $0xF7A  }
0x26: {  	[smem:$0x3F9F] =	sst s1;
	(tag) =	ssettag s2;
	_ =	strace s9  }
0x27: {  	s1 =	sld [smem:$0x3FAF]  }
0x28: {  	s2 =	sld [smem:$0x3FB0]  }
0x29: {  	s4 =	sld [smem:$0x3FB2]  }
0x2a: {  	p0 =	seq.s32 s5, $0x0;
	s5 =	sld [smem:$0x3FB3]  }
0x2b: {  	s6 =	sld [smem:$0x3FB4]  }
0x2c: {  	s7 =	sld [smem:$0x3FB5]  }
0x2d: {  	s3 =	simm.s32 $0x108;
	s8 =	sld [smem:$0x3FB6]  }
0x2e: {  	s3 =	simm.s32 @!p0 $0x1082;
	s9 =	sld [smem:$0x3FB7]  }
0x2f: {  	lr =	sadd.s32 s0, s3;
	s0 =	sld [smem:$0x3FAE]  }
0x30: {  	s3 =	sld [smem:$0x3FB1]  }
0x31: {  	[smem:$0x3FBA] =	sst s10  }
0x32: {  	s10 =	sld [smem:$0x3FB8];
	_ =	sdelay $0x3  }
0x33: {  	p0 =	seq.s32 s10, $0x1;
	s10 =	sld [smem:$0x3FBA];
	_ =	sdelay $0x3  }
0x34: {  	[smem:$0x3FBA] =	sst s10  }
0x35: {  	s10 =	sld [smem:$0x3FB9];
	_ =	sdelay $0x3  }
0x36: {  	p1 =	seq.s32 s10, $0x1;
	s10 =	sld [smem:$0x3FBA];
	_ =	sdelay $0x3  }
0x37: {  	[smem:$0x3FBA] =	sst s10  }
0x38: {  	s10 =	sld [smem:$0x3FBB]  }
0x39: {  	_ = 	snop;
	(pc) =	sbr.ind lr, $3  }
0x3a: {  	_ = 	snop  }
0x3b: {  	_ = 	snop  }
0x3c: {  	p2 =	seq.s32 s10, $0x1;
	s10 =	sld [smem:$0x3FBA]  }
0x3d: {  	_ =	shalt  }
0x3e: {  	_ =	shalt  }
0x3f: {  	_ =	shalt  }
0x40: {  	_ =	shalt  }
0x41: {  	_ =	shalt  }
0x42: {  	_ =	shalt  }
0x43: {  	_ =	shalt  }
0x44: {  	_ =	shalt  }
0x45: {  	_ =	shalt  }
0x46: {  	_ =	shalt  }
0x47: {  	_ =	shalt  }
0x48: {  	_ =	shalt  }
0x49: {  	_ =	shalt  }
0x4a: {  	_ =	shalt  }
0x4b: {  	_ =	shalt  }
0x4c: {  	_ =	shalt  }
0x4d: {  	_ =	shalt  }
0x4e: {  	_ =	shalt  }
0x4f: {  	_ =	shalt  }
0x50: {  	_ =	shalt  }
0x51: {  	_ =	shalt  }
0x52: {  	_ =	shalt  }
0x53: {  	_ =	shalt  }
0x54: {  	_ =	shalt  }
0x55: {  	_ =	shalt  }
0x56: {  	_ =	shalt  }
0x57: {  	_ =	shalt  }
0x58: {  	_ =	shalt  }
0x59: {  	_ =	shalt  }
0x5a: {  	_ =	shalt  }
0x5b: {  	_ =	shalt  }
0x5c: {  	_ =	shalt  }
0x5d: {  	_ =	shalt  }
0x5e: {  	_ =	shalt  }
0x5f: {  	_ =	shalt  }
0x60: {  	_ =	shalt  }
0x61: {  	_ =	shalt  }
0x62: {  	_ =	shalt  }
0x63: {  	_ =	shalt  }
0x64: {  	_ =	shalt  }
0x65: {  	_ =	shalt  }
0x66: {  	_ =	shalt  }
0x67: {  	_ =	shalt  }
0x68: {  	_ =	shalt  }
0x69: {  	_ =	shalt  }
0x6a: {  	_ =	shalt  }
0x6b: {  	_ =	shalt  }
0x6c: {  	_ =	shalt  }
0x6d: {  	_ =	shalt  }
0x6e: {  	_ =	shalt  }
0x6f: {  	_ =	shalt  }
0x70: {  	_ =	shalt  }
0x71: {  	_ =	shalt  }
0x72: {  	_ =	shalt  }
0x73: {  	_ =	shalt  }
0x74: {  	_ =	shalt  }
0x75: {  	_ =	shalt  }
0x76: {  	_ =	shalt  }
0x77: {  	_ =	shalt  }
0x78: {  	_ =	shalt  }
0x79: {  	_ =	shalt  }
0x7a: {  	_ =	shalt  }
0x7b: {  	_ =	shalt  }
0x7c: {  	_ =	shalt  }
0x7d: {  	_ =	shalt  }
0x7e: {  	_ =	shalt  }
0x7f: {  	_ =	shalt  }
0x80: {  	_ =	shalt  }
0x81: {  	_ =	shalt  }
0x82: {  	_ =	shalt  }
0x83: {  	_ =	shalt  }
0x84: {  	_ =	shalt  }
0x85: {  	_ =	shalt  }
0x86: {  	_ =	shalt  }
0x87: {  	_ =	shalt  }
.Lfunc_end0:
.L_simem_size_0:
called_computation_lowered:
.L_overlay_start_0:
0x88: {  	s2 =	sld [smem:$0x3FD9]  }
0x89: {  	s3 =	sld [smem:$0x3FFE];
	_ =	sdelay $0x1  }
0x8a: {  	s1 =	srdreg.scid  }
0x8b: {  	s0 =	sand.u32 $0x1, s1  }
0x8c: {  	s14 =	sshll.u32 s0, $0xA;
	s2 =	sadd.s32 s3, s2  }
0x8d: {  	s2 =	sadd.s32 s2, s14  }
0x8e: {  	[smem:$0x3FC6] =	sst s2  }
0x8f: {  	_ = 	snop  }
0x90: {  	s2 =	sld [smem:$0x3FD0];
	_ =	sdelay $0x2  }
0x91: {  	s4 =	simm.s32 $0xA;
	s5 =	simm.s32 $0x10;
	s15 =	sld [smem:$0x3FC8]  }
0x92: {  	[smem:s5], [sflag:s4] =	dma.local [hbm:s2], $0x1  }
0x93: {  	_ =	swait.eq [sflag:s4], $0x1  }
0x94: {  	[sflag:s4] =	ssyncset.done $0x0  }
0x95: {  	[sflag:s4] =	ssyncadd.s32 $0xFFFFFFFF  }
0x96: {  	s16 =	sld [smem:$0x10];
	(tm) =	ssettm $0x1  }
0x97: {  	s17 =	sld [smem:$0x3FFB];
	_ =	sdelay $0x3  }
0x98: {  	_ =	strace s17  }
0x99: {  	s4 =	sld [smem:$0x3FFC];
	_ =	sdelay $0x3  }
0x9a: {  	_ =	strace s4  }
0x9b: {  	s4 =	sld [smem:$0x3FFD];
	_ =	sdelay $0x3  }
0x9c: {  	_ =	strace s4  }
0x9d: {  	_ =	strace $0x8FFFFFFF  }
0x9e: {  	s18 =	sld [smem:$0x3FDB];
	_ =	sdelay $0x1  }
0x9f: {  	s19 =	simm.s32 $_scs_section_size  }
0xa0: {  	s6 =	simm.s32 $_size__tile_overlayer_lowered;
	s7 =	simm.s32 $_tile_overlayer_lowered  }
0xa1: {  	s22 =	simm.s32 $0x1BFF;
	s21 =	sshll.u32 s7, $0x1;
	s4 =	sadd.s32 s19, s18  }
0xa2: {  	s8 =	simm.s32 $0x0;
	s20 =	sshll.u32 s6, $0x1;
	s6 =	sadd.s32 s21, s4  }
0xa3: {  	[timem:s8], [sflag:s22] =	dma.local [hbm:s6], s20  }
0xa4: {  	_ =	swait.ge [sflag:s22], s20  }
0xa5: {  	s5 =	ssub.s32 $0x0, s20;
	[sflag:s22] =	ssyncset.done $0x0  }
0xa6: {  	[sflag:s22] =	ssyncadd.s32 s5;
	_ =	sdelay $0x1  }
0xa7: {  	s23 =	simm.s32 $0x1B8B  }
0xa8: {  	_ =	swait.ge [sflag:s23], $0x1  }
0xa9: {  	[sflag:s23] =	ssyncset.done $0x0  }
0xaa: {  	s25 =	simm.s32 $0x1B8E;
	s24 =	sld [smem:$0x3FFE];
	[sflag:s23] =	ssyncadd.s32 $0xFFFFFFFF  }
0xab: {  	s26 =	simm.s32 $execute0_lowered;
	[smem:$0x3FD2] =	sst s25  }
0xac: {  	s6 =	sshll.u32 s26, $0x1;
	_ =	strace $0x80000046;
	[dreg:$0x1] =	wrdreg $0xFFFFFFFF  }
0xad: {  	s28 =	simm.s32 $_size_execute0_lowered;
	s4 =	sadd.s32 s4, s6;
	[dreg:$0x0] =	wrdreg $0x0  }
0xae: {  	s6 =	sshll.u32 s28, $0x1;
	[dreg:$0x2] =	wrdreg s4  }
0xaf: {  	[dreg:$0x3] =	wrdreg s6  }
0xb0: {  	[dreg:$0x4] =	wrdreg $0xC0  }
0xb1: {  	_ =	task [dreg:s8], $0x5FFFF  }
0xb2: {  	[dreg:$0x1] =	wrdreg $0xFFFFFFFF  }
0xb3: {  	[dreg:$0x0] =	wrdreg $0x60  }
0xb4: {  	[dreg:$0x2] =	wrdreg s15  }
0xb5: {  	[dreg:$0x3] =	wrdreg s24  }
0xb6: {  	[dreg:$0x4] =	wrdreg s16  }
0xb7: {  	[dreg:$0x5] =	wrdreg $0x9  }
0xb8: {  	_ =	task.clear_ibuf [dreg:s8], $0x6FFFF;
	_ =	strace $0x90000046  }
0xb9: {  	s29 =	simm.s32 $0x9;
	_ =	strace $0x80000048  }
0xba: {  	_ =	swait.ge [sflag:s29], $0x1  }
0xbb: {  	[sflag:s29] =	ssyncadd.s32 $0xFFFFFFFF  }
0xbc: {  	_ =	strace $0x90000048  }
0xbd: {  	_ =	sfence  }
0xbe: {  	s30 =	sld [smem:$0x0];
	_ =	sdelay $0x2  }
0xbf: {  	s31 =	sshll.u32 s1, $0xD;
	s1 =	sshrl.u32 s1, $0x2  }
0xc0: {  	s3 =	sand.u32 $0x4000, s31;
	s1 =	sadd.s32 s1, s30  }
0xc1: {  	s0 =	sor.u32 s3, s0;
	s1 =	sshll.u32 s1, $0x11  }
0xc2: {  	s0 =	sor.u32 s1, s0  }
0xc3: {  	s0 =	sadd.s32 $0x8F2B, s0  }
0xc4: {  	[sflag:s0] =	ssyncadd.remote.s32 $0x1  }
0xc5: {  	_ =	sfence.sel $0xFFFF  }
0xc6: {  	[dreg:$0x0] =	wrdreg $0xFFFFFFFF;
	(pc) =	sbr.abs _section_cstart, $3  }
0xc7: {  	[dreg:$0x1] =	wrdreg $0xFFFFFFFF  }
0xc8: {  	_ =	task.clear_ibuf [dreg:s8], $0x2FFFF;
	_ =	strace $0x9FFFFFFF  }
0xc9: {  	(tm) =	ssettm $0x7FFFFFFF  }
tec
execute0_lowered:
.L_overlay_start_1:
0x0: {  	(tag) =	ssettag $0x1  }
0x1: {  	s1 =	rddreg [dreg:$0x0]  }
0x2: {  	s2 =	srdreg.scid;
	s4 =	rddreg [dreg:$0x1]  }
0x3: {  	s0 =	stileid.u32;
	s6 =	rddreg [dreg:$0x2]  }
0x4: {  	s3 =	simm.s32 $0x0;
	s9 =	simm.s32 $0x900;
	s10 =	simm.s32 $0x1100  }
0x5: {  	s11 =	simm.s32 $0x1900;
	s12 =	simm.s32 $0x2100;
	s13 =	simm.s32 $0x2900  }
0x6: {  	s14 =	simm.s32 $0x3100;
	s15 =	simm.s32 $0x3900;
	s16 =	simm.s32 $0x4100  }
0x7: {  	s17 =	simm.s32 $0x4900;
	s18 =	simm.s32 $0x5100;
	s19 =	simm.s32 $0x5900  }
0x8: {  	s20 =	simm.s32 $0x6100;
	s21 =	simm.s32 $0x6900;
	s22 =	simm.s32 $0x7100  }
0x9: {  	s23 =	simm.s32 $0x7900;
	s5 =	sand.u32 $0x1, s2;
	s30 =	sshll.u32 s0, $0x1  }
0xa: {  	s24 =	simm.s32 $0x8100;
	s25 =	simm.s32 $0x8900;
	s7 =	sor.u32 s5, s30  }
0xb: {  	s26 =	simm.s32 $0x1;
	s2 =	rddreg [dreg:$0x3];
	s8 =	smul.u32 $0x12, s7  }
0xc: {  	[smem:$0x7FF] =	sst s3;
	s5 =	ssub.s32 $0x2, s5;
	s7 =	smul.u32 $0x1200, s7  }
0xd: {  	v2 =	vlaneseq.u32;
	_ =	strace $0x80000047;
	s31 =	sshrl.u32 s5, $0x1;
	s4 =	sadd.s32 s8, s4  }
0xe: {  	vm0 =	vmmov $0xffff;
	v1 =	vshrl.u32 v2, $0x3;
	s8 =	ssub.s32 s5, s31;
	s5 =	sadd.s32 s6, s7;
	s7 =	simm.s32 $0x2  }
0xf: {  	v0 =	vand.u32 $0x7, v2;
	v2 =	vor.u32 $0x8, v2;
	v1 =	vmul.u32 $0x8, v1;
	s4 =	sadd.s32 $0xC00, s4;
	s6 =	smax.u32 s8, $0x1;
	s8 =	simm.s32 $0x100  }
.LBB2_1:
0x10: {  	[tilespmem:s3], [sflag:$0x2] =	stream.linear.gather [hbm4b:s4+s3], $0x90, $0x38;
	[tilespmem:$0x9100] =	vst v63  }
0x11: {  	_ =	swait.ge [sflag:s7], $0x90  }
0x12: {  	[sflag:s7] =	ssyncset.done $0x0  }
0x13: {  	[sflag:s7] =	ssyncadd.s32 $0xFFFFFF70  }
0x14: {  	v3 =	vld [tilespmem:$0x0];
	_ =	sdelay $0x4  }
0x15: {  	v4 =	vshll.u32 v3, $0x1  }
0x16: {  	v3 =	vand.u32 $0x7, v3;
	v4 =	vand.u32 $0xFFFFFFF0, v4  }
0x17: {  	v3 =	vor.u32 v3, v4  }
0x18: {  	v4 =	vperm.xlane v3, v0;
	_ =	sdelay $0x1  }
0x19: {  	v3 =	vperm.xlane v3, v2;
	v4 =	vadd.s32 v1, v4;
	_ =	sdelay $0x1  }
0x1a: {  	v3 =	vadd.s32 v1, v3;
	_ =	sdelay $0x2  }
0x1b: {  	[tilespmem:s8], [sflag:$0x1] =	stream.indirect_vreg.gather [hbm4b:s1+s3], $0x80, v4, vm0, $0xb8;
	[tilespmem:$0x9100] =	vst v63  }
0x1c: {  	_ = 	snop  }
0x1d: {  	[tilespmem:s9], [sflag:$0x1] =	stream.indirect_vreg.gather [hbm4b:s1+s3], $0x80, v3, vm0, $0xb8;
	[tilespmem:$0x9100] =	vst v63  }
0x1e: {  	v3 =	vld [tilespmem:$0x10];
	_ =	sdelay $0x4  }
0x1f: {  	v55 =	vshll.u32 v3, $0x1  }
0x20: {  	v3 =	vand.u32 $0x7, v3;
	v4 =	vand.u32 $0xFFFFFFF0, v55  }
0x21: {  	v3 =	vor.u32 v3, v4  }
0x22: {  	v4 =	vperm.xlane v3, v0;
	_ =	sdelay $0x1  }
0x23: {  	v3 =	vperm.xlane v3, v2;
	v4 =	vadd.s32 v1, v4;
	_ =	sdelay $0x1  }
0x24: {  	v3 =	vadd.s32 v1, v3;
	_ =	sdelay $0x2  }
0x25: {  	[tilespmem:s10], [sflag:$0x1] =	stream.indirect_vreg.gather [hbm4b:s1+s3], $0x80, v4, vm0, $0xb8;
	[tilespmem:$0x9100] =	vst v63  }
0x26: {  	_ = 	snop  }
0x27: {  	[tilespmem:s11], [sflag:$0x1] =	stream.indirect_vreg.gather [hbm4b:s1+s3], $0x80, v3, vm0, $0xb8;
	[tilespmem:$0x9100] =	vst v63  }
0x28: {  	v3 =	vld [tilespmem:$0x20];
	_ =	sdelay $0x4  }
0x29: {  	v56 =	vshll.u32 v3, $0x1  }
0x2a: {  	v3 =	vand.u32 $0x7, v3;
	v4 =	vand.u32 $0xFFFFFFF0, v56  }
0x2b: {  	v3 =	vor.u32 v3, v4  }
0x2c: {  	v4 =	vperm.xlane v3, v0;
	_ =	sdelay $0x1  }
0x2d: {  	v3 =	vperm.xlane v3, v2;
	v4 =	vadd.s32 v1, v4;
	_ =	sdelay $0x1  }
0x2e: {  	v3 =	vadd.s32 v1, v3;
	_ =	sdelay $0x2  }
0x2f: {  	[tilespmem:s12], [sflag:$0x1] =	stream.indirect_vreg.gather [hbm4b:s1+s3], $0x80, v4, vm0, $0xb8;
	[tilespmem:$0x9100] =	vst v63  }
0x30: {  	_ = 	snop  }
0x31: {  	[tilespmem:s13], [sflag:$0x1] =	stream.indirect_vreg.gather [hbm4b:s1+s3], $0x80, v3, vm0, $0xb8;
	[tilespmem:$0x9100] =	vst v63  }
0x32: {  	v3 =	vld [tilespmem:$0x30];
	_ =	sdelay $0x4  }
0x33: {  	v57 =	vshll.u32 v3, $0x1  }
0x34: {  	v3 =	vand.u32 $0x7, v3;
	v4 =	vand.u32 $0xFFFFFFF0, v57  }
0x35: {  	v3 =	vor.u32 v3, v4  }
0x36: {  	v4 =	vperm.xlane v3, v0;
	_ =	sdelay $0x1  }
0x37: {  	v3 =	vperm.xlane v3, v2;
	v4 =	vadd.s32 v1, v4;
	_ =	sdelay $0x1  }
0x38: {  	v3 =	vadd.s32 v1, v3;
	_ =	sdelay $0x2  }
0x39: {  	[tilespmem:s14], [sflag:$0x1] =	stream.indirect_vreg.gather [hbm4b:s1+s3], $0x80, v4, vm0, $0xb8;
	[tilespmem:$0x9100] =	vst v63  }
0x3a: {  	_ = 	snop  }
0x3b: {  	[tilespmem:s15], [sflag:$0x1] =	stream.indirect_vreg.gather [hbm4b:s1+s3], $0x80, v3, vm0, $0xb8;
	[tilespmem:$0x9100] =	vst v63  }
0x3c: {  	v3 =	vld.msk [tilespmem:$0x40], $0xff;
	_ =	sdelay $0x4  }
0x3d: {  	v58 =	vshll.u32 v3, $0x1  }
0x3e: {  	v3 =	vand.u32 $0x7, v3;
	v4 =	vand.u32 $0xFFFFFFF0, v58  }
0x3f: {  	v3 =	vor.u32 v3, v4  }
0x40: {  	v3 =	vperm.xlane v3, v0;
	_ =	sdelay $0x1  }
0x41: {  	v3 =	vadd.s32 v1, v3;
	_ =	sdelay $0x4  }
0x42: {  	[tilespmem:s16], [sflag:$0x1] =	stream.indirect_vreg.gather [hbm4b:s1+s3], $0x80, v3, vm0, $0xb8;
	[tilespmem:$0x9100] =	vst v63  }
0x43: {  	v3 =	vld [tilespmem:$0x48];
	_ =	sdelay $0x4  }
0x44: {  	v59 =	vshll.u32 v3, $0x1  }
0x45: {  	v3 =	vand.u32 $0x7, v3;
	v4 =	vand.u32 $0xFFFFFFF0, v59  }
0x46: {  	v3 =	vor.u32 v3, v4  }
0x47: {  	v4 =	vperm.xlane v3, v0;
	_ =	sdelay $0x1  }
0x48: {  	v3 =	vperm.xlane v3, v2;
	v4 =	vadd.s32 v1, v4;
	_ =	sdelay $0x1  }
0x49: {  	v3 =	vadd.s32 v1, v3;
	_ =	sdelay $0x2  }
0x4a: {  	[tilespmem:s17], [sflag:$0x1] =	stream.indirect_vreg.gather [hbm4b:s1+s3], $0x80, v4, vm0, $0xb8;
	[tilespmem:$0x9100] =	vst v63  }
0x4b: {  	_ = 	snop  }
0x4c: {  	[tilespmem:s18], [sflag:$0x1] =	stream.indirect_vreg.gather [hbm4b:s1+s3], $0x80, v3, vm0, $0xb8;
	[tilespmem:$0x9100] =	vst v63  }
0x4d: {  	v3 =	vld [tilespmem:$0x58];
	_ =	sdelay $0x4  }
0x4e: {  	v60 =	vshll.u32 v3, $0x1  }
0x4f: {  	v3 =	vand.u32 $0x7, v3;
	v4 =	vand.u32 $0xFFFFFFF0, v60  }
0x50: {  	v3 =	vor.u32 v3, v4  }
0x51: {  	v4 =	vperm.xlane v3, v0;
	_ =	sdelay $0x1  }
0x52: {  	v3 =	vperm.xlane v3, v2;
	v4 =	vadd.s32 v1, v4;
	_ =	sdelay $0x1  }
0x53: {  	v3 =	vadd.s32 v1, v3;
	_ =	sdelay $0x2  }
0x54: {  	[tilespmem:s19], [sflag:$0x1] =	stream.indirect_vreg.gather [hbm4b:s1+s3], $0x80, v4, vm0, $0xb8;
	[tilespmem:$0x9100] =	vst v63  }
0x55: {  	_ = 	snop  }
0x56: {  	[tilespmem:s20], [sflag:$0x1] =	stream.indirect_vreg.gather [hbm4b:s1+s3], $0x80, v3, vm0, $0xb8;
	[tilespmem:$0x9100] =	vst v63  }
0x57: {  	v3 =	vld [tilespmem:$0x68];
	_ =	sdelay $0x4  }
0x58: {  	v61 =	vshll.u32 v3, $0x1  }
0x59: {  	v3 =	vand.u32 $0x7, v3;
	v4 =	vand.u32 $0xFFFFFFF0, v61  }
0x5a: {  	v3 =	vor.u32 v3, v4  }
0x5b: {  	v4 =	vperm.xlane v3, v0;
	_ =	sdelay $0x1  }
0x5c: {  	v3 =	vperm.xlane v3, v2;
	v4 =	vadd.s32 v1, v4;
	_ =	sdelay $0x1  }
0x5d: {  	v3 =	vadd.s32 v1, v3;
	_ =	sdelay $0x2  }
0x5e: {  	[tilespmem:s21], [sflag:$0x1] =	stream.indirect_vreg.gather [hbm4b:s1+s3], $0x80, v4, vm0, $0xb8;
	[tilespmem:$0x9100] =	vst v63  }
0x5f: {  	_ = 	snop  }
0x60: {  	[tilespmem:s22], [sflag:$0x1] =	stream.indirect_vreg.gather [hbm4b:s1+s3], $0x80, v3, vm0, $0xb8;
	[tilespmem:$0x9100] =	vst v63  }
0x61: {  	v3 =	vld [tilespmem:$0x78];
	_ =	sdelay $0x4  }
0x62: {  	v62 =	vshll.u32 v3, $0x1  }
0x63: {  	v3 =	vand.u32 $0x7, v3;
	v4 =	vand.u32 $0xFFFFFFF0, v62  }
0x64: {  	v3 =	vor.u32 v3, v4  }
0x65: {  	v4 =	vperm.xlane v3, v0;
	_ =	sdelay $0x1  }
0x66: {  	v3 =	vperm.xlane v3, v2;
	v4 =	vadd.s32 v1, v4;
	_ =	sdelay $0x1  }
0x67: {  	v3 =	vadd.s32 v1, v3;
	_ =	sdelay $0x2  }
0x68: {  	[tilespmem:s23], [sflag:$0x1] =	stream.indirect_vreg.gather [hbm4b:s1+s3], $0x80, v4, vm0, $0xb8;
	[tilespmem:$0x9100] =	vst v63  }
0x69: {  	_ = 	snop  }
0x6a: {  	[tilespmem:s24], [sflag:$0x1] =	stream.indirect_vreg.gather [hbm4b:s1+s3], $0x80, v3, vm0, $0xb8;
	[tilespmem:$0x9100] =	vst v63  }
0x6b: {  	v3 =	vld.msk [tilespmem:$0x88], $0xff;
	_ =	sdelay $0x4  }
0x6c: {  	v63 =	vshll.u32 v3, $0x1  }
0x6d: {  	v3 =	vand.u32 $0x7, v3;
	v4 =	vand.u32 $0xFFFFFFF0, v63  }
0x6e: {  	v3 =	vor.u32 v3, v4  }
0x6f: {  	v3 =	vperm.xlane v3, v0;
	_ =	sdelay $0x1  }
0x70: {  	v3 =	vadd.s32 v1, v3;
	_ =	sdelay $0x4  }
0x71: {  	[tilespmem:s25], [sflag:$0x1] =	stream.indirect_vreg.gather [hbm4b:s1+s3], $0x80, v3, vm0, $0xb8;
	[tilespmem:$0x9100] =	vst v63  }
0x72: {  	_ =	swait.ge [sflag:s26], $0x4800  }
0x73: {  	[sflag:s26] =	ssyncset.done $0x0  }
0x74: {  	[sflag:s26] =	ssyncadd.s32 $0xFFFFB800  }
0x75: {  	_ =	swait.ge [sflag:s26], $0x4800  }
0x76: {  	p0 =	sne.s32 s6, $0x1;
	[sflag:s26] =	ssyncset.done $0x0  }
.Ltmp0:
0x77: {  	[sflag:s26] =	ssyncadd.s32 $0xFFFFB800;
	(pc) =	sbr.rel @p0 .LBB2_1-.Ltmp0, $4  }
0x78: {  	[hbm4b:s5+s3] =	stream.linear.scatter [tilespmem:s8], [sflag:$0x2], $0x9000, $0x38;
	[tilespmem:$0x9100] =	vst v63  }
0x79: {  	_ =	swait.ge [sflag:s7], $0x9000  }
0x7a: {  	[sflag:s7] =	ssyncset.done $0x0  }
0x7b: {  	s6 =	sadd.s32 $0xFFFFFFFF, s6;
	[sflag:s7] =	ssyncadd.s32 $0xFFFF7000  }
0x7c: {  	_ =	sfence.sel $0x180000  }
0x7d: {  	[bflag:$0x0] =	sbarrier.arrive $0xFFFF  }
0x7e: {  	p0 =	sne.s32 s0, $0x0;
	_ =	strace $0x90000047  }
0x7f: {  	s0 =	sadd.s32 @!p0 $0x100000, s2;
	[bflag:$0x2] =	sbarrier.arrive $0xFFFF  }
0x80: {  	[sflag:s0] =	ssyncadd.tile.s32 @!p0 $0x1;
	_ =	shalt  }
.Lfunc_end2:
_tile_overlayer_lowered:
.L_overlay_start_2:
0x81: {  	(tag) =	ssettag $0x2  }
0x82: {  	s0 =	rddreg [dreg:$0x0];
	s2 =	stileid.u32  }
0x83: {  	s1 =	rddreg [dreg:$0x1];
	p0 =	sne.s32 s2, $0x0  }
0x84: {  	s3 =	rddreg [dreg:$0x2];
	[bflag:$0x3] =	sbarrier.arrive $0xFFFF;
	s2 =	simm.s32 @!p0 $0x1C02  }
0x85: {  	[timem:s3], [sflag:s2] =	dma.local @!p0 [hbm:s0], s1  }
0x86: {  	s0 =	simm.s32 @!p0 $0x2  }
0x87: {  	_ =	swait.ge @!p0 [sflag:s0], s1  }
0x88: {  	s1 =	ssub.s32 @!p0 $0x0, s1;
	[sflag:s0] =	ssyncset.done @!p0 $0x0  }
0x89: {  	[sflag:s0] =	ssyncadd.s32 @!p0 s1  }
0x8a: {  	[bflag:$0x3] =	sbarrier.arrive $0xFFFF  }
0x8b: {  	_ =	shalt  }

</sc_bundles>
